<compile_context>
chip_gen: v7x
topology: tpu7x:2x2x1
jax: 0.10.2.dev20260603
libtpu: 0.0.44.dev20260713+nightly
codegen_flags: <defaults>
</compile_context>

<pallas_src>
import functools

import jax
import jax.numpy as jnp
from jax import lax
from jax.experimental import pallas as pl
from jax.experimental.pallas import tpu as pltpu
from jax.experimental.pallas import tpu_sc as plsc

NC = 2
NS = 16
NW = NC * NS

B = 4096
L = 200
D = 64
DP = 128
TOTAL = B * L
PER_W = TOTAL // NW
G2 = 256
NCH = PER_W // G2
R = 3
FD = 2


def _gather_kernel(table_hbm, idx_hbm, out_hbm, idx_v, rows_v, gsem, osem):
    c = lax.axis_index("c")
    s = lax.axis_index("s")
    wid = s * NC + c
    pltpu.sync_copy(idx_hbm.at[wid], idx_v)
    base = wid * PER_W

    def fire_gather(j, slot):
        pltpu.async_copy(table_hbm.at[idx_v.at[pl.ds(j * G2, G2)]],
                         rows_v.at[slot], gsem.at[slot])

    def wait_gather(slot):
        pltpu.make_async_copy(table_hbm.at[idx_v.at[pl.ds(0, G2)]],
                              rows_v.at[slot], gsem.at[slot]).wait()

    def fire_out(j, slot):
        pltpu.async_copy(rows_v.at[slot],
                         out_hbm.at[pl.ds(base + j * G2, G2)], osem.at[slot])

    def wait_out(slot):
        pltpu.make_async_copy(rows_v.at[slot],
                              out_hbm.at[pl.ds(base, G2)], osem.at[slot]).wait()

    for p in range(FD):
        fire_gather(p, p)

    def body(j, carry):
        slot = lax.rem(j, R)
        wait_gather(slot)
        fire_out(j, slot)

        @pl.when(j < NCH - FD)
        def _fire_next():
            f = j + FD
            slot2 = lax.rem(f, R)

            @pl.when(f >= R)
            def _recycle():
                wait_out(slot2)

            fire_gather(f, slot2)

        return carry

    lax.fori_loop(0, NCH, body, 0)

    for p in range(R):
        wait_out((NCH - R + p) % R)


@jax.jit
def _run(table, idx2):
    k = functools.partial(
        pl.kernel,
        out_type=jax.ShapeDtypeStruct((TOTAL, DP), jnp.float32),
        mesh=plsc.VectorSubcoreMesh(core_axis_name="c", subcore_axis_name="s"),
        scratch_types=[
            pltpu.VMEM((PER_W,), jnp.int32),
            pltpu.VMEM((R, G2, DP), jnp.float32),
            pltpu.SemaphoreType.DMA((R,)),
            pltpu.SemaphoreType.DMA((R,)),
        ],
    )(_gather_kernel)
    return k(table, idx2)


def kernel(batch, table):
    idx2 = batch.reshape(NW, PER_W)
    table_p = jnp.pad(table, ((0, 0), (0, DP - D)))
    out = _run(table_p, idx2)
    return out[:, :D].reshape(B, L, D)

# --- scband reference (transcript-rebuilt; emitter-appended) ---
"""Pipeline reference for scband-embedding-vectorizer-22771916604072 (READ-ONLY COPY).

The authoritative reference and input builder live on the scoring server;
editing this copy changes nothing except your own understanding.
"""

import jax, jax.numpy as jnp
import numpy as np

NUM_EMBEDDINGS = 1000000
EMBEDDING_DIM = 64
B = 4096
L = 200

def setup_inputs(seed: int = 0) -> dict:
    key = jax.random.key(seed)
    k_idx, k_tab = jax.random.split(key)
    batch = jax.random.randint(k_idx, (B, L), 0, NUM_EMBEDDINGS, dtype=jnp.int64 if jax.config.jax_enable_x64 else jnp.int32)
    table = jax.random.normal(k_tab, (NUM_EMBEDDINGS, EMBEDDING_DIM), dtype=jnp.float32)
    return {"batch": batch, "table": table}

def reference(batch, table):
    batch_size = batch.shape[0]
    sent_len = batch.shape[1]
    flatten = batch.reshape(-1)  # itertools.chain(*batch)
    emb = jnp.take(table, flatten, axis=0)  # self.embedding(flatten)
    return emb.reshape(batch_size, sent_len, -1)

if __name__ == "__main__":
    import jax
    _d = setup_inputs()
    print(jax.jit(kernel)(*tuple(_d.values())))

</pallas_src>

<mosaic_0001>
#map = affine_map<(d0, d1) -> (0, 0)>
module attributes {stable_mosaic.version = 14 : i64} {
  func.func @_gather_kernel(%arg0: i32, %arg1: i32, %arg2: memref<1000000x128xf32, #tpu.memory_space<hbm>>, %arg3: memref<32x25600xi32, #tpu.memory_space<hbm>>, %arg4: memref<819200x128xf32, #tpu.memory_space<hbm>>, %arg5: memref<25600xi32, #tpu.memory_space<vmem>>, %arg6: memref<3x256x128xf32, #tpu.memory_space<vmem>>, %arg7: memref<3x!tpu.dma_semaphore, #tpu.memory_space<semaphore_mem>>, %arg8: memref<3x!tpu.dma_semaphore, #tpu.memory_space<semaphore_mem>>) attributes {dimension_semantics = [#tpu.dimension_semantics<core_parallel>, #tpu.dimension_semantics<subcore_parallel>], iteration_bounds = array<i64: 2, 16>, scalar_prefetch = 0 : i64, scratch_operands = 4 : i64, tpu.core_type = #tpu.core_type<sc_vector_subcore>, window_params = [{transform_indices = #map}, {transform_indices = #map}, {transform_indices = #map}]} {
    %mul3A = arith.constant 2 : i32
    %mul3A_0 = arith.muli %arg1, %mul3A : i32
    %add3A = arith.addi %mul3A_0, %arg0 : i32
    "tpu.region"() ({
      %run_scoped3A = tpu.sem_alloc : memref<!tpu.dma_semaphore, #tpu.memory_space<semaphore_mem>>
      %dma_start3A_80 = arith.constant 0 : i32
      %dma_start3A_81 = tpu.memref_slice %arg3[%add3A, %dma_start3A_80] : memref<32x25600xi32, #tpu.memory_space<hbm>> -> memref<1x25600xi32, #tpu.memory_space<hbm>>
      %dma_start3A_82 = tpu.memref_squeeze %dma_start3A_81 : memref<1x25600xi32, #tpu.memory_space<hbm>> -> memref<25600xi32, #tpu.memory_space<hbm>>
      %dma_start3A_83 = arith.constant 0 : i32
      %dma_start3A_84 = tpu.memref_slice %arg3[%add3A, %dma_start3A_83] : memref<32x25600xi32, #tpu.memory_space<hbm>> -> memref<1x25600xi32, #tpu.memory_space<hbm>>
      %dma_start3A_85 = tpu.memref_squeeze %dma_start3A_84 : memref<1x25600xi32, #tpu.memory_space<hbm>> -> memref<25600xi32, #tpu.memory_space<hbm>>
      tpu.enqueue_dma source(%dma_start3A_85 : memref<25600xi32, #tpu.memory_space<hbm>>) target(%arg5 : memref<25600xi32, #tpu.memory_space<vmem>>) target_semaphore(%run_scoped3A : memref<!tpu.dma_semaphore, #tpu.memory_space<semaphore_mem>>)
      %dma_wait3A_86 = arith.constant 0 : i32
      %dma_wait3A_87 = tpu.memref_slice %arg3[%add3A, %dma_wait3A_86] : memref<32x25600xi32, #tpu.memory_space<hbm>> -> memref<1x25600xi32, #tpu.memory_space<hbm>>
      %dma_wait3A_88 = tpu.memref_squeeze %dma_wait3A_87 : memref<1x25600xi32, #tpu.memory_space<hbm>> -> memref<25600xi32, #tpu.memory_space<hbm>>
      %dma_wait3A_89 = arith.constant 0 : i32
      %dma_wait3A_90 = tpu.memref_slice %arg3[%add3A, %dma_wait3A_89] : memref<32x25600xi32, #tpu.memory_space<hbm>> -> memref<1x25600xi32, #tpu.memory_space<hbm>>
      %dma_wait3A_91 = tpu.memref_squeeze %dma_wait3A_90 : memref<1x25600xi32, #tpu.memory_space<hbm>> -> memref<25600xi32, #tpu.memory_space<hbm>>
      tpu.wait_dma2 semaphore(%run_scoped3A : memref<!tpu.dma_semaphore, #tpu.memory_space<semaphore_mem>>) src(%dma_wait3A_91 : memref<25600xi32, #tpu.memory_space<hbm>>) dst(%arg5 : memref<25600xi32, #tpu.memory_space<vmem>>)
      tpu.yield
    }) : () -> ()
    %mul3A_1 = arith.constant 25600 : i32
    %mul3A_2 = arith.muli %add3A, %mul3A_1 : i32
    %dma_start3A = arith.constant 0 : i32
    %dma_start3A_3 = arith.constant 0 : i32
    %dma_start3A_4 = arith.constant 0 : i32
    %dma_start3A_5 = arith.constant 0 : i32
    %dma_start3A_6 = tpu.memref_slice %arg6[%dma_start3A, %dma_start3A_4, %dma_start3A_5] : memref<3x256x128xf32, #tpu.memory_space<vmem>> -> memref<1x256x128xf32, #tpu.memory_space<vmem>>
    %dma_start3A_7 = tpu.memref_squeeze %dma_start3A_6 : memref<1x256x128xf32, #tpu.memory_space<vmem>> -> memref<256x128xf32, #tpu.memory_space<vmem>>
    %dma_start3A_8 = arith.constant 0 : i32
    %dma_start3A_9 = tpu.memref_slice %arg5[%dma_start3A_8] : memref<25600xi32, #tpu.memory_space<vmem>> -> memref<256xi32, #tpu.memory_space<vmem>>
    %dma_start3A_10 = arith.constant 0 : i32
    %dma_start3A_11 = arith.constant 0 : i32
    %dma_start3A_12 = tpu.memref_slice %arg2[%dma_start3A_10, %dma_start3A_11] : memref<1000000x128xf32, #tpu.memory_space<hbm>> -> memref<1000000x128xf32, #tpu.memory_space<hbm>>
    %dma_start3A_13 = tpu.memref_slice %arg7[%dma_start3A_3] : memref<3x!tpu.dma_semaphore, #tpu.memory_space<semaphore_mem>> -> memref<1x!tpu.dma_semaphore, #tpu.memory_space<semaphore_mem>>
    %dma_start3A_14 = tpu.memref_squeeze %dma_start3A_13 : memref<1x!tpu.dma_semaphore, #tpu.memory_space<semaphore_mem>> -> memref<!tpu.dma_semaphore, #tpu.memory_space<semaphore_mem>>
    tpu.enqueue_indirect_dma source(%dma_start3A_12 : memref<1000000x128xf32, #tpu.memory_space<hbm>>) target(%dma_start3A_7 : memref<256x128xf32, #tpu.memory_space<vmem>>) offsets(%dma_start3A_9 : memref<256xi32, #tpu.memory_space<vmem>>) semaphore(%dma_start3A_14 : memref<!tpu.dma_semaphore, #tpu.memory_space<semaphore_mem>>)
    %dma_start3A_15 = arith.constant 1 : i32
    %dma_start3A_16 = arith.constant 1 : i32
    %dma_start3A_17 = arith.constant 0 : i32
    %dma_start3A_18 = arith.constant 0 : i32
    %dma_start3A_19 = tpu.memref_slice %arg6[%dma_start3A_15, %dma_start3A_17, %dma_start3A_18] : memref<3x256x128xf32, #tpu.memory_space<vmem>> -> memref<1x256x128xf32, #tpu.memory_space<vmem>>
    %dma_start3A_20 = tpu.memref_squeeze %dma_start3A_19 : memref<1x256x128xf32, #tpu.memory_space<vmem>> -> memref<256x128xf32, #tpu.memory_space<vmem>>
    %dma_start3A_21 = arith.constant 256 : i32
    %dma_start3A_22 = tpu.memref_slice %arg5[%dma_start3A_21] : memref<25600xi32, #tpu.memory_space<vmem>> -> memref<256xi32, #tpu.memory_space<vmem>>
    %dma_start3A_23 = arith.constant 0 : i32
    %dma_start3A_24 = arith.constant 0 : i32
    %dma_start3A_25 = tpu.memref_slice %arg2[%dma_start3A_23, %dma_start3A_24] : memref<1000000x128xf32, #tpu.memory_space<hbm>> -> memref<1000000x128xf32, #tpu.memory_space<hbm>>
    %dma_start3A_26 = tpu.memref_slice %arg7[%dma_start3A_16] : memref<3x!tpu.dma_semaphore, #tpu.memory_space<semaphore_mem>> -> memref<1x!tpu.dma_semaphore, #tpu.memory_space<semaphore_mem>>
    %dma_start3A_27 = tpu.memref_squeeze %dma_start3A_26 : memref<1x!tpu.dma_semaphore, #tpu.memory_space<semaphore_mem>> -> memref<!tpu.dma_semaphore, #tpu.memory_space<semaphore_mem>>
    tpu.enqueue_indirect_dma source(%dma_start3A_25 : memref<1000000x128xf32, #tpu.memory_space<hbm>>) target(%dma_start3A_20 : memref<256x128xf32, #tpu.memory_space<vmem>>) offsets(%dma_start3A_22 : memref<256xi32, #tpu.memory_space<vmem>>) semaphore(%dma_start3A_27 : memref<!tpu.dma_semaphore, #tpu.memory_space<semaphore_mem>>)
    %scan3A = arith.constant 0 : i32
    %scan3A_28 = arith.constant 0 : i32
    %scan3A_29 = arith.constant 100 : i32
    %scan3A_30 = arith.addi %scan3A_28, %scan3A_29 : i32
    %scan3A_31 = arith.constant 1 : i32
    scf.for %scan3A_80 = %scan3A_28 to %scan3A_30 step %scan3A_31  : i32 {
      %rem3A = arith.constant 3 : i32
      %rem3A_81 = arith.remsi %scan3A_80, %rem3A : i32
      %dma_wait3A_82 = arith.constant 0 : i32
      %dma_wait3A_83 = arith.constant 0 : i32
      %dma_wait3A_84 = tpu.memref_slice %arg6[%rem3A_81, %dma_wait3A_82, %dma_wait3A_83] : memref<3x256x128xf32, #tpu.memory_space<vmem>> -> memref<1x256x128xf32, #tpu.memory_space<vmem>>
      %dma_wait3A_85 = tpu.memref_squeeze %dma_wait3A_84 : memref<1x256x128xf32, #tpu.memory_space<vmem>> -> memref<256x128xf32, #tpu.memory_space<vmem>>
      %dma_wait3A_86 = arith.constant 0 : i32
      %dma_wait3A_87 = tpu.memref_slice %arg5[%dma_wait3A_86] : memref<25600xi32, #tpu.memory_space<vmem>> -> memref<256xi32, #tpu.memory_space<vmem>>
      %dma_wait3A_88 = arith.constant 0 : i32
      %dma_wait3A_89 = arith.constant 0 : i32
      %dma_wait3A_90 = tpu.memref_slice %arg2[%dma_wait3A_88, %dma_wait3A_89] : memref<1000000x128xf32, #tpu.memory_space<hbm>> -> memref<1000000x128xf32, #tpu.memory_space<hbm>>
      %dma_wait3A_91 = tpu.memref_slice %arg7[%rem3A_81] : memref<3x!tpu.dma_semaphore, #tpu.memory_space<semaphore_mem>> -> memref<1x!tpu.dma_semaphore, #tpu.memory_space<semaphore_mem>>
      %dma_wait3A_92 = tpu.memref_squeeze %dma_wait3A_91 : memref<1x!tpu.dma_semaphore, #tpu.memory_space<semaphore_mem>> -> memref<!tpu.dma_semaphore, #tpu.memory_space<semaphore_mem>>
      tpu.wait_indirect_dma semaphore(%dma_wait3A_92 : memref<!tpu.dma_semaphore, #tpu.memory_space<semaphore_mem>>) src(%dma_wait3A_90 : memref<1000000x128xf32, #tpu.memory_space<hbm>>) dst(%dma_wait3A_85 : memref<256x128xf32, #tpu.memory_space<vmem>>)
      %mul3A_93 = arith.constant 256 : i32
      %mul3A_94 = arith.muli %scan3A_80, %mul3A_93 : i32
      %add3A_95 = arith.addi %mul3A_2, %mul3A_94 : i32
      %dma_start3A_96 = arith.constant 0 : i32
      %dma_start3A_97 = arith.constant 0 : i32
      %dma_start3A_98 = tpu.memref_slice %arg6[%rem3A_81, %dma_start3A_96, %dma_start3A_97] : memref<3x256x128xf32, #tpu.memory_space<vmem>> -> memref<1x256x128xf32, #tpu.memory_space<vmem>>
      %dma_start3A_99 = tpu.memref_squeeze %dma_start3A_98 : memref<1x256x128xf32, #tpu.memory_space<vmem>> -> memref<256x128xf32, #tpu.memory_space<vmem>>
      %dma_start3A_100 = arith.constant 0 : i32
      %dma_start3A_101 = tpu.memref_slice %arg4[%add3A_95, %dma_start3A_100] : memref<819200x128xf32, #tpu.memory_space<hbm>> -> memref<256x128xf32, #tpu.memory_space<hbm>>
      %dma_start3A_102 = tpu.memref_slice %arg8[%rem3A_81] : memref<3x!tpu.dma_semaphore, #tpu.memory_space<semaphore_mem>> -> memref<1x!tpu.dma_semaphore, #tpu.memory_space<semaphore_mem>>
      %dma_start3A_103 = tpu.memref_squeeze %dma_start3A_102 : memref<1x!tpu.dma_semaphore, #tpu.memory_space<semaphore_mem>> -> memref<!tpu.dma_semaphore, #tpu.memory_space<semaphore_mem>>
      %dma_start3A_104 = arith.constant 0 : i32
      %dma_start3A_105 = tpu.memref_slice %arg4[%add3A_95, %dma_start3A_104] : memref<819200x128xf32, #tpu.memory_space<hbm>> -> memref<256x128xf32, #tpu.memory_space<hbm>>
      %dma_start3A_106 = arith.constant 0 : i32
      %dma_start3A_107 = arith.constant 0 : i32
      %dma_start3A_108 = tpu.memref_slice %arg6[%rem3A_81, %dma_start3A_106, %dma_start3A_107] : memref<3x256x128xf32, #tpu.memory_space<vmem>> -> memref<1x256x128xf32, #tpu.memory_space<vmem>>
      %dma_start3A_109 = tpu.memref_squeeze %dma_start3A_108 : memref<1x256x128xf32, #tpu.memory_space<vmem>> -> memref<256x128xf32, #tpu.memory_space<vmem>>
      tpu.enqueue_dma source(%dma_start3A_109 : memref<256x128xf32, #tpu.memory_space<vmem>>) target(%dma_start3A_105 : memref<256x128xf32, #tpu.memory_space<hbm>>) target_semaphore(%dma_start3A_103 : memref<!tpu.dma_semaphore, #tpu.memory_space<semaphore_mem>>)
      %lt3A = arith.constant 98 : i32
      %lt3A_110 = arith.cmpi slt, %scan3A_80, %lt3A : i32
      %convert_element_type3A = arith.extui %lt3A_110 : i1 to i32
      %cond3A = arith.constant 0 : i32
      %cond3A_111 = arith.cmpi ne, %convert_element_type3A, %cond3A : i32
      scf.if %cond3A_111 {
        %add3A_112 = arith.constant 2 : i32
        %add3A_113 = arith.addi %scan3A_80, %add3A_112 : i32
        %rem3A_114 = arith.constant 3 : i32
        %rem3A_115 = arith.remsi %add3A_113, %rem3A_114 : i32
        %ge3A = arith.constant 3 : i32
        %ge3A_116 = arith.cmpi sge, %add3A_113, %ge3A : i32
        %convert_element_type3A_117 = arith.extui %ge3A_116 : i1 to i32
        %cond3A_118 = arith.constant 0 : i32
        %cond3A_119 = arith.cmpi ne, %convert_element_type3A_117, %cond3A_118 : i32
        scf.if %cond3A_119 {
          %dma_wait3A_132 = arith.constant 0 : i32
          %dma_wait3A_133 = arith.constant 0 : i32
          %dma_wait3A_134 = tpu.memref_slice %arg6[%rem3A_115, %dma_wait3A_132, %dma_wait3A_133] : memref<3x256x128xf32, #tpu.memory_space<vmem>> -> memref<1x256x128xf32, #tpu.memory_space<vmem>>
          %dma_wait3A_135 = tpu.memref_squeeze %dma_wait3A_134 : memref<1x256x128xf32, #tpu.memory_space<vmem>> -> memref<256x128xf32, #tpu.memory_space<vmem>>
          %dma_wait3A_136 = arith.constant 0 : i32
          %dma_wait3A_137 = tpu.memref_slice %arg4[%mul3A_2, %dma_wait3A_136] : memref<819200x128xf32, #tpu.memory_space<hbm>> -> memref<256x128xf32, #tpu.memory_space<hbm>>
          %dma_wait3A_138 = tpu.memref_slice %arg8[%rem3A_115] : memref<3x!tpu.dma_semaphore, #tpu.memory_space<semaphore_mem>> -> memref<1x!tpu.dma_semaphore, #tpu.memory_space<semaphore_mem>>
          %dma_wait3A_139 = tpu.memref_squeeze %dma_wait3A_138 : memref<1x!tpu.dma_semaphore, #tpu.memory_space<semaphore_mem>> -> memref<!tpu.dma_semaphore, #tpu.memory_space<semaphore_mem>>
          %dma_wait3A_140 = arith.constant 0 : i32
          %dma_wait3A_141 = tpu.memref_slice %arg4[%mul3A_2, %dma_wait3A_140] : memref<819200x128xf32, #tpu.memory_space<hbm>> -> memref<256x128xf32, #tpu.memory_space<hbm>>
          %dma_wait3A_142 = arith.constant 0 : i32
          %dma_wait3A_143 = arith.constant 0 : i32
          %dma_wait3A_144 = tpu.memref_slice %arg6[%rem3A_115, %dma_wait3A_142, %dma_wait3A_143] : memref<3x256x128xf32, #tpu.memory_space<vmem>> -> memref<1x256x128xf32, #tpu.memory_space<vmem>>
          %dma_wait3A_145 = tpu.memref_squeeze %dma_wait3A_144 : memref<1x256x128xf32, #tpu.memory_space<vmem>> -> memref<256x128xf32, #tpu.memory_space<vmem>>
          tpu.wait_dma2 semaphore(%dma_wait3A_139 : memref<!tpu.dma_semaphore, #tpu.memory_space<semaphore_mem>>) src(%dma_wait3A_145 : memref<256x128xf32, #tpu.memory_space<vmem>>) dst(%dma_wait3A_141 : memref<256x128xf32, #tpu.memory_space<hbm>>)
        } else {
        }
        %mul3A_120 = arith.constant 256 : i32
        %mul3A_121 = arith.muli %add3A_113, %mul3A_120 : i32
        %dma_start3A_122 = arith.constant 0 : i32
        %dma_start3A_123 = arith.constant 0 : i32
        %dma_start3A_124 = tpu.memref_slice %arg6[%rem3A_115, %dma_start3A_122, %dma_start3A_123] : memref<3x256x128xf32, #tpu.memory_space<vmem>> -> memref<1x256x128xf32, #tpu.memory_space<vmem>>
        %dma_start3A_125 = tpu.memref_squeeze %dma_start3A_124 : memref<1x256x128xf32, #tpu.memory_space<vmem>> -> memref<256x128xf32, #tpu.memory_space<vmem>>
        %dma_start3A_126 = tpu.memref_slice %arg5[%mul3A_121] : memref<25600xi32, #tpu.memory_space<vmem>> -> memref<256xi32, #tpu.memory_space<vmem>>
        %dma_start3A_127 = arith.constant 0 : i32
        %dma_start3A_128 = arith.constant 0 : i32
        %dma_start3A_129 = tpu.memref_slice %arg2[%dma_start3A_127, %dma_start3A_128] : memref<1000000x128xf32, #tpu.memory_space<hbm>> -> memref<1000000x128xf32, #tpu.memory_space<hbm>>
        %dma_start3A_130 = tpu.memref_slice %arg7[%rem3A_115] : memref<3x!tpu.dma_semaphore, #tpu.memory_space<semaphore_mem>> -> memref<1x!tpu.dma_semaphore, #tpu.memory_space<semaphore_mem>>
        %dma_start3A_131 = tpu.memref_squeeze %dma_start3A_130 : memref<1x!tpu.dma_semaphore, #tpu.memory_space<semaphore_mem>> -> memref<!tpu.dma_semaphore, #tpu.memory_space<semaphore_mem>>
        tpu.enqueue_indirect_dma source(%dma_start3A_129 : memref<1000000x128xf32, #tpu.memory_space<hbm>>) target(%dma_start3A_125 : memref<256x128xf32, #tpu.memory_space<vmem>>) offsets(%dma_start3A_126 : memref<256xi32, #tpu.memory_space<vmem>>) semaphore(%dma_start3A_131 : memref<!tpu.dma_semaphore, #tpu.memory_space<semaphore_mem>>)
      } else {
      }
    }
    %scan3A_32 = arith.constant 100 : i32
    %dma_wait3A = arith.constant 1 : i32
    %dma_wait3A_33 = arith.constant 1 : i32
    %dma_wait3A_34 = arith.constant 0 : i32
    %dma_wait3A_35 = arith.constant 0 : i32
    %dma_wait3A_36 = tpu.memref_slice %arg6[%dma_wait3A, %dma_wait3A_34, %dma_wait3A_35] : memref<3x256x128xf32, #tpu.memory_space<vmem>> -> memref<1x256x128xf32, #tpu.memory_space<vmem>>
    %dma_wait3A_37 = tpu.memref_squeeze %dma_wait3A_36 : memref<1x256x128xf32, #tpu.memory_space<vmem>> -> memref<256x128xf32, #tpu.memory_space<vmem>>
    %dma_wait3A_38 = arith.constant 0 : i32
    %dma_wait3A_39 = tpu.memref_slice %arg4[%mul3A_2, %dma_wait3A_38] : memref<819200x128xf32, #tpu.memory_space<hbm>> -> memref<256x128xf32, #tpu.memory_space<hbm>>
    %dma_wait3A_40 = tpu.memref_slice %arg8[%dma_wait3A_33] : memref<3x!tpu.dma_semaphore, #tpu.memory_space<semaphore_mem>> -> memref<1x!tpu.dma_semaphore, #tpu.memory_space<semaphore_mem>>
    %dma_wait3A_41 = tpu.memref_squeeze %dma_wait3A_40 : memref<1x!tpu.dma_semaphore, #tpu.memory_space<semaphore_mem>> -> memref<!tpu.dma_semaphore, #tpu.memory_space<semaphore_mem>>
    %dma_wait3A_42 = arith.constant 0 : i32
    %dma_wait3A_43 = tpu.memref_slice %arg4[%mul3A_2, %dma_wait3A_42] : memref<819200x128xf32, #tpu.memory_space<hbm>> -> memref<256x128xf32, #tpu.memory_space<hbm>>
    %dma_wait3A_44 = arith.constant 0 : i32
    %dma_wait3A_45 = arith.constant 0 : i32
    %dma_wait3A_46 = tpu.memref_slice %arg6[%dma_wait3A, %dma_wait3A_44, %dma_wait3A_45] : memref<3x256x128xf32, #tpu.memory_space<vmem>> -> memref<1x256x128xf32, #tpu.memory_space<vmem>>
    %dma_wait3A_47 = tpu.memref_squeeze %dma_wait3A_46 : memref<1x256x128xf32, #tpu.memory_space<vmem>> -> memref<256x128xf32, #tpu.memory_space<vmem>>
    tpu.wait_dma2 semaphore(%dma_wait3A_41 : memref<!tpu.dma_semaphore, #tpu.memory_space<semaphore_mem>>) src(%dma_wait3A_47 : memref<256x128xf32, #tpu.memory_space<vmem>>) dst(%dma_wait3A_43 : memref<256x128xf32, #tpu.memory_space<hbm>>)
    %dma_wait3A_48 = arith.constant 2 : i32
    %dma_wait3A_49 = arith.constant 2 : i32
    %dma_wait3A_50 = arith.constant 0 : i32
    %dma_wait3A_51 = arith.constant 0 : i32
    %dma_wait3A_52 = tpu.memref_slice %arg6[%dma_wait3A_48, %dma_wait3A_50, %dma_wait3A_51] : memref<3x256x128xf32, #tpu.memory_space<vmem>> -> memref<1x256x128xf32, #tpu.memory_space<vmem>>
    %dma_wait3A_53 = tpu.memref_squeeze %dma_wait3A_52 : memref<1x256x128xf32, #tpu.memory_space<vmem>> -> memref<256x128xf32, #tpu.memory_space<vmem>>
    %dma_wait3A_54 = arith.constant 0 : i32
    %dma_wait3A_55 = tpu.memref_slice %arg4[%mul3A_2, %dma_wait3A_54] : memref<819200x128xf32, #tpu.memory_space<hbm>> -> memref<256x128xf32, #tpu.memory_space<hbm>>
    %dma_wait3A_56 = tpu.memref_slice %arg8[%dma_wait3A_49] : memref<3x!tpu.dma_semaphore, #tpu.memory_space<semaphore_mem>> -> memref<1x!tpu.dma_semaphore, #tpu.memory_space<semaphore_mem>>
    %dma_wait3A_57 = tpu.memref_squeeze %dma_wait3A_56 : memref<1x!tpu.dma_semaphore, #tpu.memory_space<semaphore_mem>> -> memref<!tpu.dma_semaphore, #tpu.memory_space<semaphore_mem>>
    %dma_wait3A_58 = arith.constant 0 : i32
    %dma_wait3A_59 = tpu.memref_slice %arg4[%mul3A_2, %dma_wait3A_58] : memref<819200x128xf32, #tpu.memory_space<hbm>> -> memref<256x128xf32, #tpu.memory_space<hbm>>
    %dma_wait3A_60 = arith.constant 0 : i32
    %dma_wait3A_61 = arith.constant 0 : i32
    %dma_wait3A_62 = tpu.memref_slice %arg6[%dma_wait3A_48, %dma_wait3A_60, %dma_wait3A_61] : memref<3x256x128xf32, #tpu.memory_space<vmem>> -> memref<1x256x128xf32, #tpu.memory_space<vmem>>
    %dma_wait3A_63 = tpu.memref_squeeze %dma_wait3A_62 : memref<1x256x128xf32, #tpu.memory_space<vmem>> -> memref<256x128xf32, #tpu.memory_space<vmem>>
    tpu.wait_dma2 semaphore(%dma_wait3A_57 : memref<!tpu.dma_semaphore, #tpu.memory_space<semaphore_mem>>) src(%dma_wait3A_63 : memref<256x128xf32, #tpu.memory_space<vmem>>) dst(%dma_wait3A_59 : memref<256x128xf32, #tpu.memory_space<hbm>>)
    %dma_wait3A_64 = arith.constant 0 : i32
    %dma_wait3A_65 = arith.constant 0 : i32
    %dma_wait3A_66 = arith.constant 0 : i32
    %dma_wait3A_67 = arith.constant 0 : i32
    %dma_wait3A_68 = tpu.memref_slice %arg6[%dma_wait3A_64, %dma_wait3A_66, %dma_wait3A_67] : memref<3x256x128xf32, #tpu.memory_space<vmem>> -> memref<1x256x128xf32, #tpu.memory_space<vmem>>
    %dma_wait3A_69 = tpu.memref_squeeze %dma_wait3A_68 : memref<1x256x128xf32, #tpu.memory_space<vmem>> -> memref<256x128xf32, #tpu.memory_space<vmem>>
    %dma_wait3A_70 = arith.constant 0 : i32
    %dma_wait3A_71 = tpu.memref_slice %arg4[%mul3A_2, %dma_wait3A_70] : memref<819200x128xf32, #tpu.memory_space<hbm>> -> memref<256x128xf32, #tpu.memory_space<hbm>>
    %dma_wait3A_72 = tpu.memref_slice %arg8[%dma_wait3A_65] : memref<3x!tpu.dma_semaphore, #tpu.memory_space<semaphore_mem>> -> memref<1x!tpu.dma_semaphore, #tpu.memory_space<semaphore_mem>>
    %dma_wait3A_73 = tpu.memref_squeeze %dma_wait3A_72 : memref<1x!tpu.dma_semaphore, #tpu.memory_space<semaphore_mem>> -> memref<!tpu.dma_semaphore, #tpu.memory_space<semaphore_mem>>
    %dma_wait3A_74 = arith.constant 0 : i32
    %dma_wait3A_75 = tpu.memref_slice %arg4[%mul3A_2, %dma_wait3A_74] : memref<819200x128xf32, #tpu.memory_space<hbm>> -> memref<256x128xf32, #tpu.memory_space<hbm>>
    %dma_wait3A_76 = arith.constant 0 : i32
    %dma_wait3A_77 = arith.constant 0 : i32
    %dma_wait3A_78 = tpu.memref_slice %arg6[%dma_wait3A_64, %dma_wait3A_76, %dma_wait3A_77] : memref<3x256x128xf32, #tpu.memory_space<vmem>> -> memref<1x256x128xf32, #tpu.memory_space<vmem>>
    %dma_wait3A_79 = tpu.memref_squeeze %dma_wait3A_78 : memref<1x256x128xf32, #tpu.memory_space<vmem>> -> memref<256x128xf32, #tpu.memory_space<vmem>>
    tpu.wait_dma2 semaphore(%dma_wait3A_73 : memref<!tpu.dma_semaphore, #tpu.memory_space<semaphore_mem>>) src(%dma_wait3A_79 : memref<256x128xf32, #tpu.memory_space<vmem>>) dst(%dma_wait3A_75 : memref<256x128xf32, #tpu.memory_space<hbm>>)
    return
  }
}

</mosaic_0001>

<sc_bundles>
// kernel: _run.3.cloned.1.call-start
scs
__scs_entry_jumppad:
0x0: {  	(pc) =	sbr.rel $0x88, $3  }
0x1: {  	(tag) =	ssettag $0x0;
	lr =	simm.s32 $0x1  }
0x2: {  	[smem:$0x3F9F] =	sst lr;
	_ =	strace $0xD0000000  }
0x3: {  	_ = 	snop  }
0x4: {  	_ = 	snop  }
0x5: {  	_ = 	snop  }
0x6: {  	_ = 	snop  }
0x7: {  	_ = 	snop  }
__scs_overlays_trampoline_lowered:
0x8: {  	[smem:$0x3FAE] =	sst s0  }
0x9: {  	[smem:$0x3FAF] =	sst s1  }
0xa: {  	[smem:$0x3FB0] =	sst s2  }
0xb: {  	[smem:$0x3FB1] =	sst s3  }
0xc: {  	[smem:$0x3FB2] =	sst s4  }
0xd: {  	[smem:$0x3FB3] =	sst s5  }
0xe: {  	[smem:$0x3FB4] =	sst s6  }
0xf: {  	[smem:$0x3FB5] =	sst s7  }
0x10: {  	[smem:$0x3FB6] =	sst s8  }
0x11: {  	[smem:$0x3FB7] =	sst s9;
	s0 =	simm.s32 @!p0 $0x0  }
0x12: {  	s1 =	sld [smem:$0x3F9D];
	s0 =	simm.s32 @p0 $0x1  }
0x13: {  	[smem:$0x3FB8] =	sst s0;
	s0 =	simm.s32 @!p1 $0x0  }
0x14: {  	s2 =	sld [smem:$0x3F9C];
	s0 =	simm.s32 @p1 $0x1  }
0x15: {  	[smem:$0x3FB9] =	sst s0;
	s0 =	simm.s32 @!p2 $0x0  }
0x16: {  	s3 =	sld [smem:$0x3FDB];
	s0 =	simm.s32 @p2 $0x1  }
0x17: {  	s4 =	simm.s32 $0x1BF5;
	[smem:$0x3FBB] =	sst s0  }
0x18: {  	s0 =	sld [smem:$0x3F9E];
	_ =	swait.ge [sflag:s4], $0x0  }
0x19: {  	s7 =	sld [smem:$0x3F9F]  }
0x1a: {  	s8 =	sadd.s32 $0xFFFFE003, lr  }
0x1b: {  	s9 =	sadd.s32 $0xFFFFFEF7, lr;
	s5 =	simm.s32 $0xFFFFFFFF;
	p2 =	slt.u32 s8, $0xFFFFF086  }
0x1c: {  	p1 =	slt.u32 s9, $0xF7A;
	s5 =	simm.s32 @!p2 $0x0  }
0x1d: {  	s5 =	simm.s32 @p1 $0x1;
	p0 =	seq.s32 s7, s2  }
0x1e: {  	s7 =	smul.u32 @!p0 $0xF7A, s2;
	p2 =	seq.s32 @!p0 s5, $0x0  }
0x1f: {  	s9 =	smul.u32 $0xF7A, s1;
	s8 =	simm.s32 @!p0 $0x1BF5;
	p2 =	por !p2, p0  }
0x20: {  	[sflag:s8] =	ssyncset.s32 @!p0 $0xFFFFF086;
	s6 =	sadd.s32 @!p0 s3, s7;
	s7 =	simm.s32 @!p0 $0x108  }
0x21: {  	s3 =	sadd.s32 s3, s9;
	s6 =	sadd.s32 @!p0 $0x88, s6;
	s7 =	simm.s32 @p2 $0x1082  }
0x22: {  	[simem:s7], [sflag:s8] =	dma.local @!p0 [hbm:s6], $0xF7A  }
0x23: {  	s9 =	sor.u32 $0xD0000000, s2;
	s6 =	simm.s32 $0x108;
	_ =	swait.ge @!p0 [sflag:s8], $0x0  }
0x24: {  	s3 =	sadd.s32 $0x88, s3;
	s6 =	simm.s32 @!p1 $0x1082;
	[sflag:s4] =	ssyncset.s32 $0xFFFFF086  }
0x25: {  	[simem:s6], [sflag:s4] =	dma.local [hbm:s3], $0xF7A  }
0x26: {  	[smem:$0x3F9F] =	sst s1;
	(tag) =	ssettag s2;
	_ =	strace s9  }
0x27: {  	s1 =	sld [smem:$0x3FAF]  }
0x28: {  	s2 =	sld [smem:$0x3FB0]  }
0x29: {  	s4 =	sld [smem:$0x3FB2]  }
0x2a: {  	p0 =	seq.s32 s5, $0x0;
	s5 =	sld [smem:$0x3FB3]  }
0x2b: {  	s6 =	sld [smem:$0x3FB4]  }
0x2c: {  	s7 =	sld [smem:$0x3FB5]  }
0x2d: {  	s3 =	simm.s32 $0x108;
	s8 =	sld [smem:$0x3FB6]  }
0x2e: {  	s3 =	simm.s32 @!p0 $0x1082;
	s9 =	sld [smem:$0x3FB7]  }
0x2f: {  	lr =	sadd.s32 s0, s3;
	s0 =	sld [smem:$0x3FAE]  }
0x30: {  	s3 =	sld [smem:$0x3FB1]  }
0x31: {  	[smem:$0x3FBA] =	sst s10  }
0x32: {  	s10 =	sld [smem:$0x3FB8];
	_ =	sdelay $0x3  }
0x33: {  	p0 =	seq.s32 s10, $0x1;
	s10 =	sld [smem:$0x3FBA];
	_ =	sdelay $0x3  }
0x34: {  	[smem:$0x3FBA] =	sst s10  }
0x35: {  	s10 =	sld [smem:$0x3FB9];
	_ =	sdelay $0x3  }
0x36: {  	p1 =	seq.s32 s10, $0x1;
	s10 =	sld [smem:$0x3FBA];
	_ =	sdelay $0x3  }
0x37: {  	[smem:$0x3FBA] =	sst s10  }
0x38: {  	s10 =	sld [smem:$0x3FBB]  }
0x39: {  	_ = 	snop;
	(pc) =	sbr.ind lr, $3  }
0x3a: {  	_ = 	snop  }
0x3b: {  	_ = 	snop  }
0x3c: {  	p2 =	seq.s32 s10, $0x1;
	s10 =	sld [smem:$0x3FBA]  }
0x3d: {  	_ =	shalt  }
0x3e: {  	_ =	shalt  }
0x3f: {  	_ =	shalt  }
0x40: {  	_ =	shalt  }
0x41: {  	_ =	shalt  }
0x42: {  	_ =	shalt  }
0x43: {  	_ =	shalt  }
0x44: {  	_ =	shalt  }
0x45: {  	_ =	shalt  }
0x46: {  	_ =	shalt  }
0x47: {  	_ =	shalt  }
0x48: {  	_ =	shalt  }
0x49: {  	_ =	shalt  }
0x4a: {  	_ =	shalt  }
0x4b: {  	_ =	shalt  }
0x4c: {  	_ =	shalt  }
0x4d: {  	_ =	shalt  }
0x4e: {  	_ =	shalt  }
0x4f: {  	_ =	shalt  }
0x50: {  	_ =	shalt  }
0x51: {  	_ =	shalt  }
0x52: {  	_ =	shalt  }
0x53: {  	_ =	shalt  }
0x54: {  	_ =	shalt  }
0x55: {  	_ =	shalt  }
0x56: {  	_ =	shalt  }
0x57: {  	_ =	shalt  }
0x58: {  	_ =	shalt  }
0x59: {  	_ =	shalt  }
0x5a: {  	_ =	shalt  }
0x5b: {  	_ =	shalt  }
0x5c: {  	_ =	shalt  }
0x5d: {  	_ =	shalt  }
0x5e: {  	_ =	shalt  }
0x5f: {  	_ =	shalt  }
0x60: {  	_ =	shalt  }
0x61: {  	_ =	shalt  }
0x62: {  	_ =	shalt  }
0x63: {  	_ =	shalt  }
0x64: {  	_ =	shalt  }
0x65: {  	_ =	shalt  }
0x66: {  	_ =	shalt  }
0x67: {  	_ =	shalt  }
0x68: {  	_ =	shalt  }
0x69: {  	_ =	shalt  }
0x6a: {  	_ =	shalt  }
0x6b: {  	_ =	shalt  }
0x6c: {  	_ =	shalt  }
0x6d: {  	_ =	shalt  }
0x6e: {  	_ =	shalt  }
0x6f: {  	_ =	shalt  }
0x70: {  	_ =	shalt  }
0x71: {  	_ =	shalt  }
0x72: {  	_ =	shalt  }
0x73: {  	_ =	shalt  }
0x74: {  	_ =	shalt  }
0x75: {  	_ =	shalt  }
0x76: {  	_ =	shalt  }
0x77: {  	_ =	shalt  }
0x78: {  	_ =	shalt  }
0x79: {  	_ =	shalt  }
0x7a: {  	_ =	shalt  }
0x7b: {  	_ =	shalt  }
0x7c: {  	_ =	shalt  }
0x7d: {  	_ =	shalt  }
0x7e: {  	_ =	shalt  }
0x7f: {  	_ =	shalt  }
0x80: {  	_ =	shalt  }
0x81: {  	_ =	shalt  }
0x82: {  	_ =	shalt  }
0x83: {  	_ =	shalt  }
0x84: {  	_ =	shalt  }
0x85: {  	_ =	shalt  }
0x86: {  	_ =	shalt  }
0x87: {  	_ =	shalt  }
.Lfunc_end0:
.L_simem_size_0:
called_computation_lowered:
.L_overlay_start_0:
0x88: {  	s2 =	sld [smem:$0x3FD9]  }
0x89: {  	s3 =	sld [smem:$0x3FFE];
	_ =	sdelay $0x1  }
0x8a: {  	s1 =	srdreg.scid  }
0x8b: {  	s0 =	sand.u32 $0x1, s1  }
0x8c: {  	s18 =	sshll.u32 s0, $0xA;
	s2 =	sadd.s32 s3, s2  }
0x8d: {  	s2 =	sadd.s32 s2, s18  }
0x8e: {  	[smem:$0x3FC6] =	sst s2  }
0x8f: {  	_ = 	snop  }
0x90: {  	s2 =	sld [smem:$0x3FC9]  }
0x91: {  	s19 =	sld [smem:$0x3FC8]  }
0x92: {  	s4 =	sld [smem:$0x3FD0];
	(tm) =	ssettm $0x1  }
0x93: {  	s5 =	sld [smem:$0x3FFB];
	_ =	sdelay $0x3  }
0x94: {  	_ =	strace s5  }
0x95: {  	s5 =	sld [smem:$0x3FFC];
	_ =	sdelay $0x3  }
0x96: {  	_ =	strace s5  }
0x97: {  	s5 =	sld [smem:$0x3FFD];
	_ =	sdelay $0x3  }
0x98: {  	_ =	strace s5  }
0x99: {  	_ =	strace $0x8FFFFFFF  }
0x9a: {  	s20 =	sld [smem:$0x3FDB];
	_ =	sdelay $0x1  }
0x9b: {  	s6 =	simm.s32 $_scs_section_size  }
0x9c: {  	s7 =	simm.s32 $_size__tile_overlayer_lowered;
	s8 =	simm.s32 $_tile_overlayer_lowered  }
0x9d: {  	s23 =	simm.s32 $0x1BFF;
	s22 =	sshll.u32 s8, $0x1;
	s5 =	sadd.s32 s6, s20  }
0x9e: {  	s9 =	simm.s32 $0x0;
	s21 =	sshll.u32 s7, $0x1;
	s7 =	sadd.s32 s22, s5  }
0x9f: {  	[timem:s9], [sflag:s23] =	dma.local [hbm:s7], s21  }
0xa0: {  	_ =	swait.ge [sflag:s23], s21  }
0xa1: {  	s6 =	ssub.s32 $0x0, s21;
	[sflag:s23] =	ssyncset.done $0x0  }
0xa2: {  	[sflag:s23] =	ssyncadd.s32 s6;
	_ =	sdelay $0x1  }
0xa3: {  	s24 =	simm.s32 $0x1B8B  }
0xa4: {  	_ =	swait.ge [sflag:s24], $0x1  }
0xa5: {  	[sflag:s24] =	ssyncset.done $0x0  }
0xa6: {  	s25 =	simm.s32 $0x1B8E;
	[sflag:s24] =	ssyncadd.s32 $0xFFFFFFFF  }
0xa7: {  	s26 =	simm.s32 $execute0_lowered;
	[smem:$0x3FD2] =	sst s25  }
0xa8: {  	s6 =	sshll.u32 s26, $0x1;
	_ =	strace $0x80000046;
	[dreg:$0x1] =	wrdreg $0xFFFFFFFF  }
0xa9: {  	s28 =	simm.s32 $_size_execute0_lowered;
	s5 =	sadd.s32 s5, s6;
	[dreg:$0x0] =	wrdreg $0x0  }
0xaa: {  	s6 =	sshll.u32 s28, $0x1;
	[dreg:$0x2] =	wrdreg s5  }
0xab: {  	[dreg:$0x3] =	wrdreg s6  }
0xac: {  	[dreg:$0x4] =	wrdreg $0xC0  }
0xad: {  	_ =	task [dreg:s9], $0x5FFFF  }
0xae: {  	[dreg:$0x1] =	wrdreg $0xFFFFFFFF  }
0xaf: {  	[dreg:$0x0] =	wrdreg $0x60  }
0xb0: {  	[dreg:$0x2] =	wrdreg s2  }
0xb1: {  	[dreg:$0x3] =	wrdreg s19  }
0xb2: {  	[dreg:$0x4] =	wrdreg s4  }
0xb3: {  	[dreg:$0x5] =	wrdreg $0x9  }
0xb4: {  	_ =	task.clear_ibuf [dreg:s9], $0x6FFFF;
	_ =	strace $0x90000046  }
0xb5: {  	s29 =	simm.s32 $0x9;
	_ =	strace $0x80000048  }
0xb6: {  	_ =	swait.ge [sflag:s29], $0x1  }
0xb7: {  	[sflag:s29] =	ssyncadd.s32 $0xFFFFFFFF  }
0xb8: {  	_ =	strace $0x90000048  }
0xb9: {  	_ =	sfence  }
0xba: {  	s30 =	sld [smem:$0x0];
	_ =	sdelay $0x2  }
0xbb: {  	s31 =	sshll.u32 s1, $0xD;
	s1 =	sshrl.u32 s1, $0x2  }
0xbc: {  	s3 =	sand.u32 $0x4000, s31;
	s1 =	sadd.s32 s1, s30  }
0xbd: {  	s0 =	sor.u32 s3, s0;
	s1 =	sshll.u32 s1, $0x11  }
0xbe: {  	s0 =	sor.u32 s1, s0  }
0xbf: {  	s0 =	sadd.s32 $0x8F2B, s0  }
0xc0: {  	[sflag:s0] =	ssyncadd.remote.s32 $0x1  }
0xc1: {  	_ =	sfence.sel $0xFFFF  }
0xc2: {  	[dreg:$0x0] =	wrdreg $0xFFFFFFFF;
	(pc) =	sbr.abs _section_cstart, $3  }
0xc3: {  	[dreg:$0x1] =	wrdreg $0xFFFFFFFF  }
0xc4: {  	_ =	task.clear_ibuf [dreg:s9], $0x2FFFF;
	_ =	strace $0x9FFFFFFF  }
0xc5: {  	(tm) =	ssettm $0x7FFFFFFF  }
tec
execute0_lowered:
.L_overlay_start_1:
0x0: {  	(tag) =	ssettag $0x1  }
0x1: {  	s2 =	rddreg [dreg:$0x0]  }
0x2: {  	s4 =	rddreg [dreg:$0x1]  }
0x3: {  	s6 =	rddreg [dreg:$0x2]  }
0x4: {  	s3 =	srdreg.scid;
	s1 =	stileid.u32  }
0x5: {  	s0 =	rddreg [dreg:$0x3];
	s11 =	simm.s32 $0x6400;
	s12 =	simm.s32 $0xE400  }
0x6: {  	s13 =	simm.s32 $0x5;
	s14 =	simm.s32 $0x6;
	s15 =	simm.s32 $0x4  }
0x7: {  	s16 =	simm.s32 $0x0;
	s5 =	sand.u32 $0x1, s3;
	s28 =	sshrl.u32 s1, $0x2  }
0x8: {  	s8 =	sshll.u32 s1, $0x8;
	s3 =	simm.s32 $0x0;
	s29 =	smul.u32 $0x640000, s1  }
0x9: {  	s7 =	smul.u32 $0x32000, s28;
	s9 =	sshll.u32 s5, $0x7;
	[smem:$0x7FF] =	sst s3  }
0xa: {  	s10 =	smul.u32 $0x320000, s5;
	s5 =	ssub.s32 $0x2, s5;
	s8 =	sor.u32 s9, s8  }
0xb: {  	_ =	strace $0x80000047;
	s30 =	sshrl.u32 s5, $0x1;
	s8 =	sand.u32 $0x380, s8  }
0xc: {  	s9 =	sadd.s32 s10, s29;
	s5 =	ssub.s32 s5, s30;
	s10 =	simm.s32 $0x100  }
0xd: {  	s7 =	sor.u32 s7, s8;
	s31 =	sshrl.u32 s9, $0x3;
	s5 =	smax.u32 s5, $0x1  }
0xe: {  	s8 =	simm.s32 $0x400;
	s9 =	simm.s32 $0x7;
	s7 =	sshrl.u32 s7, $0x3  }
0xf: {  	s6 =	sadd.s32 s31, s6;
	s4 =	sadd.s32 s4, s7;
	s7 =	simm.s32 $0x80  }
.LBB2_1:
0x10: {  	[tilespmem:s3], [sflag:$0x7] =	stream.strided.gather [hbm4b:s4+s7], $0x6400, s8, s7, $0x38;
	[tilespmem:$0x1E400] =	vst v63  }
0x11: {  	s17 =	smul.u32 $0xAB, s3;
	p1 =	por $0x0, $0x0  }
0x12: {  	s20 =	simm.s32 $0x200;
	s19 =	simm.s32 $0x1;
	_ =	swait.ge [sflag:s9], $0x6400  }
0x13: {  	s18 =	simm.s32 @!p1 $0x2;
	[sflag:s9] =	ssyncset.done $0x0;
	s17 =	sshrl.u32 s17, $0x9  }
0x14: {  	s18 =	smul.u32 @!p1 $0xAB, s18;
	[sflag:s9] =	ssyncadd.s32 $0xFFFF9C00;
	s17 =	sand.u32 $0x7F, s17  }
0x15: {  	[tilespmem:s11], [sflag:$0x1] =	stream.indirect.gather [hbm4b:s2+s10], $0x80, s3, s10, $0xb8;
	[tilespmem:$0x1E400] =	vst v63  }
0x16: {  	s21 =	simm.s32 $0x2;
	p0 =	por p1, p1;
	s17 =	smul.u32 $0x3, s17  }
0x17: {  	[tilespmem:s12], [sflag:$0x2] =	stream.indirect.gather [hbm4b:s2+s10], $0x80, s10, s10, $0xb8;
	[tilespmem:$0x1E400] =	vst v63  }
0x18: {  	p1 =	por @!p1 $0x1, $0x1;
	s18 =	sshrl.u32 @!p0 s18, $0x9;
	s17 =	ssub.s32 $0x0, s17  }
0x19: {  	p1 =	por p1, p0;
	s22 =	sand.u32 $0xFF, s17;
	s17 =	sand.u32 @!p0 $0x7F, s18  }
0x1a: {  	s18 =	simm.s32 $0x300;
	s29 =	sadd.s32 $0x1, s22;
	s23 =	smul.u32 @!p0 $0x3, s17  }
0x1b: {  	s24 =	sshll.u32 s22, $0xF;
	s17 =	sadd.s32 $0x1000, s6;
	_ =	swait.ge [sflag:s29], $0x8000  }
0x1c: {  	s30 =	sor.u32 $0x4, s22;
	[sflag:s29] =	ssyncset.done $0x0;
	s23 =	ssub.s32 @!p0 $0x2, s23  }
0x1d: {  	s31 =	sor.u32 $0x6400, s24;
	[sflag:s29] =	ssyncadd.s32 $0xFFFF8000;
	s24 =	sand.u32 @!p0 $0xFF, s23  }
0x1e: {  	[hbm4b:s6+s3] =	stream.linear.scatter [tilespmem:s31], [sflag:s30], $0x8000, $0x38;
	[tilespmem:$0x1E400] =	vst v63  }
0x1f: {  	s22 =	simm.s32 @!p0 $0x100;
	s23 =	sadd.s32 @!p1 $0x4, s24;
	s25 =	sshll.u32 @!p0 s24, $0xF  }
.LBB2_2:
0x20: {  	s26 =	smul.u32 $0xAB, s19;
	s25 =	sor.u32 @!p0 $0x6400, s25  }
0x21: {  	s28 =	smov.u32 s21;
	s21 =	sadd.s32 $0x1, s21;
	s29 =	smov.u32 s17  }
0x22: {  	p4 =	sgt.u32 s19, $0x61;
	s24 =	sadd.s32 @!p0 $0x1, s24;
	_ =	swait.ge @!p1 [sflag:s23], $0x8000  }
0x23: {  	s30 =	sadd.s32 @!p4 $0x2, s19;
	s26 =	sshrl.u32 s26, $0x9;
	[sflag:s23] =	ssyncset.done @!p1 $0x0  }
0x24: {  	p3 =	seq.s32 @!p4 s19, $0x0;
	s26 =	sand.u32 $0x7F, s26;
	[sflag:s23] =	ssyncadd.s32 @!p1 $0xFFFF8000  }
0x25: {  	[tilespmem:s25], [sflag:s24] =	stream.indirect.gather @!p0 [hbm4b:s2+s22], $0x80, s20, s22, $0xb8;
	[tilespmem:$0x1E400] =	vst v63  }
0x26: {  	p2 =	sne.s32 s21, $0x64;
	s22 =	smul.u32 $0x3, s26;
	s20 =	smov.u32 s18  }
0x27: {  	s23 =	smul.u32 @!p4 $0xAB, s30;
	p0 =	por p4, p4  }
0x28: {  	s22 =	ssub.s32 s19, s22;
	s19 =	smov.u32 s28  }
0x29: {  	s24 =	sand.u32 $0xFF, s22;
	s22 =	sshrl.u32 @!p0 s23, $0x9  }
0x2a: {  	s23 =	sadd.s32 $0x1, s24;
	s25 =	sshll.u32 s24, $0xF;
	s22 =	sand.u32 @!p0 $0x7F, s22  }
0x2b: {  	s17 =	sadd.s32 $0x1000, s17;
	s18 =	sadd.s32 $0x100, s18;
	s26 =	smul.u32 @!p0 $0x3, s22  }
.Ltmp0:
0x2c: {  	s22 =	simm.s32 @!p0 $0x100;
	_ =	swait.ge [sflag:s23], $0x8000;
	(pc) =	sbr.rel @p2 .LBB2_2-.Ltmp0, $4  }
0x2d: {  	p1 =	por p3, p0;
	s26 =	ssub.s32 @!p0 s30, s26;
	[sflag:s23] =	ssyncset.done $0x0  }
0x2e: {  	s28 =	sor.u32 $0x4, s24;
	s24 =	sand.u32 @!p0 $0xFF, s26;
	[sflag:s23] =	ssyncadd.s32 $0xFFFF8000  }
0x2f: {  	s26 =	sor.u32 $0x6400, s25;
	s23 =	sadd.s32 @!p1 $0x4, s24;
	s25 =	sshll.u32 @!p0 s24, $0xF  }
0x30: {  	[hbm4b:s29+s3] =	stream.linear.scatter [tilespmem:s26], [sflag:s28], $0x8000, $0x38;
	[tilespmem:$0x1E400] =	vst v63  }
0x31: {  	_ =	swait.ge @!p1 [sflag:s23], $0x8000  }
0x32: {  	s21 =	smul.u32 $0xAB, s19;
	s25 =	sor.u32 @!p0 $0x6400, s25;
	[sflag:s23] =	ssyncset.done @!p1 $0x0  }
0x33: {  	p2 =	sgt.u32 s19, $0x61;
	s24 =	sadd.s32 @!p0 $0x1, s24;
	[sflag:s23] =	ssyncadd.s32 @!p1 $0xFFFF8000  }
0x34: {  	[tilespmem:s25], [sflag:s24] =	stream.indirect.gather @!p0 [hbm4b:s2+s22], $0x80, s20, s22, $0xb8;
	[tilespmem:$0x1E400] =	vst v63  }
0x35: {  	s21 =	sshrl.u32 s21, $0x9;
	s20 =	sadd.s32 @!p2 $0x2, s19  }
0x36: {  	s21 =	sand.u32 $0x7F, s21;
	s22 =	smul.u32 @!p2 $0xAB, s20  }
0x37: {  	p0 =	por p2, p2;
	s21 =	smul.u32 $0x3, s21  }
0x38: {  	s22 =	sshrl.u32 @!p0 s22, $0x9  }
0x39: {  	s21 =	ssub.s32 s19, s21;
	s22 =	sand.u32 @!p0 $0x7F, s22  }
0x3a: {  	p1 =	seq.s32 @!p2 s19, $0x0;
	s21 =	sand.u32 $0xFF, s21;
	s22 =	smul.u32 @!p0 $0x3, s22  }
0x3b: {  	p1 =	por p1, p0;
	s30 =	sadd.s32 $0x1, s21  }
0x3c: {  	s31 =	sshll.u32 s21, $0xF;
	_ =	swait.ge [sflag:s30], $0x8000;
	s20 =	ssub.s32 @!p0 s20, s22  }
0x3d: {  	s21 =	sor.u32 $0x4, s21;
	[sflag:s30] =	ssyncset.done $0x0;
	s20 =	sand.u32 @!p0 $0xFF, s20  }
0x3e: {  	s19 =	sor.u32 $0x6400, s31;
	[sflag:s30] =	ssyncadd.s32 $0xFFFF8000;
	s22 =	sadd.s32 @!p1 $0x4, s20  }
0x3f: {  	[hbm4b:s17+s3] =	stream.linear.scatter [tilespmem:s19], [sflag:s21], $0x8000, $0x38;
	[tilespmem:$0x1E400] =	vst v63  }
0x40: {  	_ =	swait.ge @!p1 [sflag:s22], $0x8000  }
0x41: {  	s17 =	simm.s32 @!p0 $0x100;
	s19 =	sshll.u32 @!p0 s20, $0xF;
	[sflag:s22] =	ssyncset.done @!p1 $0x0  }
0x42: {  	s20 =	sadd.s32 @!p0 $0x1, s20;
	s19 =	sor.u32 @!p0 $0x6400, s19;
	[sflag:s22] =	ssyncadd.s32 @!p1 $0xFFFF8000  }
0x43: {  	[tilespmem:s19], [sflag:s20] =	stream.indirect.gather @!p0 [hbm4b:s2+s17], $0x80, s18, s17, $0xb8;
	[tilespmem:$0x1E400] =	vst v63  }
0x44: {  	_ =	swait.ge [sflag:s13], $0x8000  }
0x45: {  	[sflag:s13] =	ssyncset.done $0x0  }
0x46: {  	s16 =	sadd.s32 $0x1, s16;
	[sflag:s13] =	ssyncadd.s32 $0xFFFF8000  }
0x47: {  	p0 =	sne.s32 s16, s5;
	_ =	swait.ge [sflag:s14], $0x8000  }
.Ltmp1:
0x48: {  	[sflag:s14] =	ssyncset.done $0x0;
	(pc) =	sbr.rel @p0 .LBB2_1-.Ltmp1, $4  }
0x49: {  	[sflag:s14] =	ssyncadd.s32 $0xFFFF8000  }
0x4a: {  	_ =	swait.ge [sflag:s15], $0x8000  }
0x4b: {  	[sflag:s15] =	ssyncset.done $0x0  }
0x4c: {  	[sflag:s15] =	ssyncadd.s32 $0xFFFF8000  }
0x4d: {  	_ =	sfence.sel $0x180000  }
0x4e: {  	[bflag:$0x0] =	sbarrier.arrive $0xFFFF  }
0x4f: {  	p0 =	sne.s32 s1, $0x0;
	_ =	strace $0x90000047  }
0x50: {  	s0 =	sadd.s32 @!p0 $0x100000, s0;
	[bflag:$0x2] =	sbarrier.arrive $0xFFFF  }
0x51: {  	[sflag:s0] =	ssyncadd.tile.s32 @!p0 $0x1;
	_ =	shalt  }
.Lfunc_end2:
_tile_overlayer_lowered:
.L_overlay_start_2:
0x52: {  	(tag) =	ssettag $0x2  }
0x53: {  	s0 =	rddreg [dreg:$0x0];
	s2 =	stileid.u32  }
0x54: {  	s1 =	rddreg [dreg:$0x1];
	p0 =	sne.s32 s2, $0x0  }
0x55: {  	s3 =	rddreg [dreg:$0x2];
	[bflag:$0x3] =	sbarrier.arrive $0xFFFF;
	s2 =	simm.s32 @!p0 $0x1C07  }
0x56: {  	[timem:s3], [sflag:s2] =	dma.local @!p0 [hbm:s0], s1  }
0x57: {  	s0 =	simm.s32 @!p0 $0x7  }
0x58: {  	_ =	swait.ge @!p0 [sflag:s0], s1  }
0x59: {  	s1 =	ssub.s32 @!p0 $0x0, s1;
	[sflag:s0] =	ssyncset.done @!p0 $0x0  }
0x5a: {  	[sflag:s0] =	ssyncadd.s32 @!p0 s1  }
0x5b: {  	[bflag:$0x3] =	sbarrier.arrive $0xFFFF  }
0x5c: {  	_ =	shalt  }

</sc_bundles>
